<compile_context>
chip_gen: v7x
topology: tpu7x:2x2x1
jax: 0.10.2.dev20260603
libtpu: 0.0.44.dev20260713+nightly
codegen_flags: <defaults>
</compile_context>

<pallas_src>
import functools

import jax
import jax.numpy as jnp
from jax import lax
from jax.experimental import pallas as pl
from jax.experimental.pallas import tpu as pltpu
from jax.experimental.pallas import tpu_sc as plsc

EMBED_DIM = 16

_mesh = plsc.VectorSubcoreMesh(core_axis_name="c", subcore_axis_name="s")


@functools.partial(
    pl.kernel,
    mesh=_mesh,
    out_type=jax.ShapeDtypeStruct((1, EMBED_DIM), jnp.float32),
    compiler_params=pltpu.CompilerParams(needs_layout_passes=False),
    scratch_types=[
        pltpu.VMEM((16,), jnp.int32),
        pltpu.VMEM((EMBED_DIM, 128), jnp.float32),
        pltpu.VMEM((1, EMBED_DIM), jnp.float32),
    ],
)
def _embed_lookup(idx_hbm, table_hbm, out_hbm, idx_v, blk_v, row_v):
    wid = lax.axis_index("s") * 2 + lax.axis_index("c")

    @pl.when(wid == 0)
    def _():
        pltpu.sync_copy(idx_hbm, idx_v)
        r = idx_v[...][0]
        base = (r // 128) * 128
        pltpu.sync_copy(table_hbm.at[:, pl.ds(base, 128)], blk_v)
        rows = lax.iota(jnp.int32, 16)
        cols = jnp.full((16,), r % 128, jnp.int32)
        col = plsc.load_gather(blk_v, [rows, cols])
        row_v[0, :] = col
        pltpu.sync_copy(row_v, out_hbm)


def kernel(client_id, embed_table):
    idx = jnp.full((16,), client_id, dtype=jnp.int32)
    return _embed_lookup(idx, embed_table.T)

# --- scband reference (transcript-rebuilt; emitter-appended) ---
"""Pipeline reference for scband-embed-2353642078719 (READ-ONLY COPY).

The authoritative reference and input builder live on the scoring server;
editing this copy changes nothing except your own understanding.
"""

import jax, jax.numpy as jnp
import numpy as np

CLIENT_NUM = 1000000
EMBED_DIM = 16

def setup_inputs(seed: int = 0) -> dict:
    key = jax.random.key(seed)
    k1, _ = jax.random.split(key)
    # learned parameter: embedding table sized per init_kwargs
    embed_table = jax.random.normal(k1, (CLIENT_NUM, EMBED_DIM), dtype=jnp.float32)
    client_id = 12345  # python int scalar, as in the original forward signature
    return {"client_id": client_id, "embed_table": embed_table}

def reference(client_id, embed_table):
    # faithful translation: wrap scalar id into a length-1 int tensor, then embed
    idx = jnp.asarray([client_id], dtype=jnp.int32)
    out = jnp.take(embed_table, idx, axis=0)  # shape (1, EMBED_DIM)
    return out

if __name__ == "__main__":
    import jax
    _d = setup_inputs()
    print(jax.jit(kernel)(*tuple(_d.values())))

</pallas_src>

<mosaic_0001>
#map = affine_map<(d0, d1) -> (0)>
#map1 = affine_map<(d0, d1) -> (0, 0)>
module attributes {stable_mosaic.version = 14 : i64} {
  func.func @_embed_lookup(%arg0: i32, %arg1: i32, %arg2: memref<16xi32, #tpu.memory_space<hbm>>, %arg3: memref<16x1000000xf32, #tpu.memory_space<hbm>>, %arg4: memref<1x16xf32, #tpu.memory_space<hbm>>, %arg5: memref<16xi32, #tpu.memory_space<vmem>>, %arg6: memref<16x128xf32, #tpu.memory_space<vmem>>, %arg7: memref<1x16xf32, #tpu.memory_space<vmem>>) attributes {dimension_semantics = [#tpu.dimension_semantics<core_parallel>, #tpu.dimension_semantics<subcore_parallel>], iteration_bounds = array<i64: 2, 16>, scalar_prefetch = 0 : i64, scratch_operands = 3 : i64, tpu.core_type = #tpu.core_type<sc_vector_subcore>, window_params = [{transform_indices = #map}, {transform_indices = #map1}, {transform_indices = #map1}]} {
    %mul3A = arith.constant 2 : i32
    %mul3A_0 = arith.muli %arg1, %mul3A : i32
    %add3A = arith.addi %mul3A_0, %arg0 : i32
    %eq3A = arith.constant 0 : i32
    %eq3A_1 = arith.cmpi eq, %add3A, %eq3A : i32
    %convert_element_type3A = arith.extui %eq3A_1 : i1 to i32
    %cond3A = arith.constant 0 : i32
    %cond3A_2 = arith.cmpi ne, %convert_element_type3A, %cond3A : i32
    scf.if %cond3A_2 {
      "tpu.region"() ({
        %run_scoped3A = tpu.sem_alloc : memref<!tpu.dma_semaphore, #tpu.memory_space<semaphore_mem>>
        tpu.enqueue_dma source(%arg2 : memref<16xi32, #tpu.memory_space<hbm>>) target(%arg5 : memref<16xi32, #tpu.memory_space<vmem>>) target_semaphore(%run_scoped3A : memref<!tpu.dma_semaphore, #tpu.memory_space<semaphore_mem>>)
        tpu.wait_dma2 semaphore(%run_scoped3A : memref<!tpu.dma_semaphore, #tpu.memory_space<semaphore_mem>>) src(%arg2 : memref<16xi32, #tpu.memory_space<hbm>>) dst(%arg5 : memref<16xi32, #tpu.memory_space<vmem>>)
        tpu.yield
      }) : () -> ()
      %get3A = arith.constant 0 : index
      %get3A_3 = tpu.vector_load %arg5[%get3A] {strides = array<i32>} : memref<16xi32, #tpu.memory_space<vmem>>, vector<16xi32>,
      %slice3A = vector.extract_strided_slice %get3A_3 {offsets = [0], sizes = [1], strides = [1]} : vector<16xi32> to vector<1xi32>
      %squeeze3A = vector.extract %slice3A[0] : i32 from vector<1xi32>
      %jit3A = arith.constant 128 : i32
      %div3A = arith.divsi %squeeze3A, %jit3A : i32
      %sign3A = arith.constant 0 : i32
      %sign3A_4 = arith.cmpi sgt, %squeeze3A, %sign3A : i32
      %sign3A_5 = arith.extui %sign3A_4 : i1 to i32
      %sign3A_6 = arith.constant 0 : i32
      %sign3A_7 = arith.cmpi slt, %squeeze3A, %sign3A_6 : i32
      %sign3A_8 = arith.extui %sign3A_7 : i1 to i32
      %sign3A_9 = arith.subi %sign3A_5, %sign3A_8 : i32
      %sign3A_10 = arith.constant 0 : i32
      %sign3A_11 = arith.cmpi sgt, %jit3A, %sign3A_10 : i32
      %sign3A_12 = arith.extui %sign3A_11 : i1 to i32
      %sign3A_13 = arith.constant 0 : i32
      %sign3A_14 = arith.cmpi slt, %jit3A, %sign3A_13 : i32
      %sign3A_15 = arith.extui %sign3A_14 : i1 to i32
      %sign3A_16 = arith.subi %sign3A_12, %sign3A_15 : i32
      %ne3A = arith.cmpi ne, %sign3A_9, %sign3A_16 : i32
      %rem3A = arith.remsi %squeeze3A, %jit3A : i32
      %ne3A_17 = arith.constant 0 : i32
      %ne3A_18 = arith.cmpi ne, %rem3A, %ne3A_17 : i32
      %and3A = arith.andi %ne3A, %ne3A_18 : i1
      %sub3A = arith.constant 1 : i32
      %sub3A_19 = arith.subi %div3A, %sub3A : i32
      %select_n3A = arith.select %and3A, %sub3A_19, %div3A : i32
      %mul3A_20 = arith.constant 128 : i32
      %mul3A_21 = arith.muli %select_n3A, %mul3A_20 : i32
      "tpu.region"() ({
        %run_scoped3A = tpu.sem_alloc : memref<!tpu.dma_semaphore, #tpu.memory_space<semaphore_mem>>
        %dma_start3A = arith.constant 0 : i32
        %dma_start3A_40 = tpu.memref_slice %arg3[%dma_start3A, %mul3A_21] : memref<16x1000000xf32, #tpu.memory_space<hbm>> -> memref<16x128xf32, #tpu.memory_space<hbm>>
        %dma_start3A_41 = arith.constant 0 : i32
        %dma_start3A_42 = tpu.memref_slice %arg3[%dma_start3A_41, %mul3A_21] : memref<16x1000000xf32, #tpu.memory_space<hbm>> -> memref<16x128xf32, #tpu.memory_space<hbm>>
        tpu.enqueue_dma source(%dma_start3A_42 : memref<16x128xf32, #tpu.memory_space<hbm>>) target(%arg6 : memref<16x128xf32, #tpu.memory_space<vmem>>) target_semaphore(%run_scoped3A : memref<!tpu.dma_semaphore, #tpu.memory_space<semaphore_mem>>)
        %dma_wait3A = arith.constant 0 : i32
        %dma_wait3A_43 = tpu.memref_slice %arg3[%dma_wait3A, %mul3A_21] : memref<16x1000000xf32, #tpu.memory_space<hbm>> -> memref<16x128xf32, #tpu.memory_space<hbm>>
        %dma_wait3A_44 = arith.constant 0 : i32
        %dma_wait3A_45 = tpu.memref_slice %arg3[%dma_wait3A_44, %mul3A_21] : memref<16x1000000xf32, #tpu.memory_space<hbm>> -> memref<16x128xf32, #tpu.memory_space<hbm>>
        tpu.wait_dma2 semaphore(%run_scoped3A : memref<!tpu.dma_semaphore, #tpu.memory_space<semaphore_mem>>) src(%dma_wait3A_45 : memref<16x128xf32, #tpu.memory_space<hbm>>) dst(%arg6 : memref<16x128xf32, #tpu.memory_space<vmem>>)
        tpu.yield
      }) : () -> ()
      %iota3A = tpu.iota {dimensions = array<i32: 0>} : vector<16xi32>
      %jit3A_22 = arith.constant 128 : i32
      %eq3A_23 = arith.constant 0 : i32
      %eq3A_24 = arith.cmpi eq, %jit3A_22, %eq3A_23 : i32
      %jit3A_25 = arith.constant 1 : i32
      %select_n3A_26 = arith.select %eq3A_24, %jit3A_25, %jit3A_22 : i32
      %rem3A_27 = arith.remsi %squeeze3A, %select_n3A_26 : i32
      %ne3A_28 = arith.constant 0 : i32
      %ne3A_29 = arith.cmpi ne, %rem3A_27, %ne3A_28 : i32
      %lt3A = arith.constant 0 : i32
      %lt3A_30 = arith.cmpi slt, %rem3A_27, %lt3A : i32
      %lt3A_31 = arith.constant 0 : i32
      %lt3A_32 = arith.cmpi slt, %select_n3A_26, %lt3A_31 : i32
      %ne3A_33 = arith.xori %lt3A_30, %lt3A_32 : i1
      %and3A_34 = arith.andi %ne3A_33, %ne3A_29 : i1
      %add3A_35 = arith.addi %rem3A_27, %select_n3A_26 : i32
      %select_n3A_36 = arith.select %and3A_34, %add3A_35, %rem3A_27 : i32
      %broadcast_in_dim3A = vector.broadcast %select_n3A_36 : i32 to vector<16xi32>
      %gather3A = tpu.vector_load_idx %arg6[%iota3A, %broadcast_in_dim3A] : memref<16x128xf32, #tpu.memory_space<vmem>>[vector<16xi32>, vector<16xi32>], vector<16xf32>,
      %swap3A = arith.constant 0 : i32
      %swap3A_37 = arith.index_cast %swap3A : i32 to index
      %swap3A_38 = arith.constant 0 : index
      %swap3A_39 = tpu.vector_load %arg7[%swap3A_37, %swap3A_38] {strides = array<i32>} : memref<1x16xf32, #tpu.memory_space<vmem>>, vector<16xf32>,
      tpu.vector_store %arg7[%swap3A_37, %swap3A_38], %gather3A {strides = array<i32>} : memref<1x16xf32, #tpu.memory_space<vmem>>, vector<16xf32>,
      "tpu.region"() ({
        %run_scoped3A = tpu.sem_alloc : memref<!tpu.dma_semaphore, #tpu.memory_space<semaphore_mem>>
        tpu.enqueue_dma source(%arg7 : memref<1x16xf32, #tpu.memory_space<vmem>>) target(%arg4 : memref<1x16xf32, #tpu.memory_space<hbm>>) target_semaphore(%run_scoped3A : memref<!tpu.dma_semaphore, #tpu.memory_space<semaphore_mem>>)
        tpu.wait_dma2 semaphore(%run_scoped3A : memref<!tpu.dma_semaphore, #tpu.memory_space<semaphore_mem>>) src(%arg7 : memref<1x16xf32, #tpu.memory_space<vmem>>) dst(%arg4 : memref<1x16xf32, #tpu.memory_space<hbm>>)
        tpu.yield
      }) : () -> ()
    } else {
    }
    return
  }
}

</mosaic_0001>

<sc_bundles>
// kernel: kernel.3.cloned.1.call-start
scs
__scs_entry_jumppad:
0x0: {  	(pc) =	sbr.rel $0x88, $3  }
0x1: {  	(tag) =	ssettag $0x0;
	lr =	simm.s32 $0x1  }
0x2: {  	[smem:$0x3F9F] =	sst lr;
	_ =	strace $0xD0000000  }
0x3: {  	_ = 	snop  }
0x4: {  	_ = 	snop  }
0x5: {  	_ = 	snop  }
0x6: {  	_ = 	snop  }
0x7: {  	_ = 	snop  }
__scs_overlays_trampoline_lowered:
0x8: {  	[smem:$0x3FAE] =	sst s0  }
0x9: {  	[smem:$0x3FAF] =	sst s1  }
0xa: {  	[smem:$0x3FB0] =	sst s2  }
0xb: {  	[smem:$0x3FB1] =	sst s3  }
0xc: {  	[smem:$0x3FB2] =	sst s4  }
0xd: {  	[smem:$0x3FB3] =	sst s5  }
0xe: {  	[smem:$0x3FB4] =	sst s6  }
0xf: {  	[smem:$0x3FB5] =	sst s7  }
0x10: {  	[smem:$0x3FB6] =	sst s8  }
0x11: {  	[smem:$0x3FB7] =	sst s9;
	s0 =	simm.s32 @!p0 $0x0  }
0x12: {  	s1 =	sld [smem:$0x3F9D];
	s0 =	simm.s32 @p0 $0x1  }
0x13: {  	[smem:$0x3FB8] =	sst s0;
	s0 =	simm.s32 @!p1 $0x0  }
0x14: {  	s2 =	sld [smem:$0x3F9C];
	s0 =	simm.s32 @p1 $0x1  }
0x15: {  	[smem:$0x3FB9] =	sst s0;
	s0 =	simm.s32 @!p2 $0x0  }
0x16: {  	s3 =	sld [smem:$0x3FDB];
	s0 =	simm.s32 @p2 $0x1  }
0x17: {  	s4 =	simm.s32 $0x1BF5;
	[smem:$0x3FBB] =	sst s0  }
0x18: {  	s0 =	sld [smem:$0x3F9E];
	_ =	swait.ge [sflag:s4], $0x0  }
0x19: {  	s7 =	sld [smem:$0x3F9F]  }
0x1a: {  	s8 =	sadd.s32 $0xFFFFE003, lr  }
0x1b: {  	s9 =	sadd.s32 $0xFFFFFEF7, lr;
	s5 =	simm.s32 $0xFFFFFFFF;
	p2 =	slt.u32 s8, $0xFFFFF086  }
0x1c: {  	p1 =	slt.u32 s9, $0xF7A;
	s5 =	simm.s32 @!p2 $0x0  }
0x1d: {  	s5 =	simm.s32 @p1 $0x1;
	p0 =	seq.s32 s7, s2  }
0x1e: {  	s7 =	smul.u32 @!p0 $0xF7A, s2;
	p2 =	seq.s32 @!p0 s5, $0x0  }
0x1f: {  	s9 =	smul.u32 $0xF7A, s1;
	s8 =	simm.s32 @!p0 $0x1BF5;
	p2 =	por !p2, p0  }
0x20: {  	[sflag:s8] =	ssyncset.s32 @!p0 $0xFFFFF086;
	s6 =	sadd.s32 @!p0 s3, s7;
	s7 =	simm.s32 @!p0 $0x108  }
0x21: {  	s3 =	sadd.s32 s3, s9;
	s6 =	sadd.s32 @!p0 $0x88, s6;
	s7 =	simm.s32 @p2 $0x1082  }
0x22: {  	[simem:s7], [sflag:s8] =	dma.local @!p0 [hbm:s6], $0xF7A  }
0x23: {  	s9 =	sor.u32 $0xD0000000, s2;
	s6 =	simm.s32 $0x108;
	_ =	swait.ge @!p0 [sflag:s8], $0x0  }
0x24: {  	s3 =	sadd.s32 $0x88, s3;
	s6 =	simm.s32 @!p1 $0x1082;
	[sflag:s4] =	ssyncset.s32 $0xFFFFF086  }
0x25: {  	[simem:s6], [sflag:s4] =	dma.local [hbm:s3], $0xF7A  }
0x26: {  	[smem:$0x3F9F] =	sst s1;
	(tag) =	ssettag s2;
	_ =	strace s9  }
0x27: {  	s1 =	sld [smem:$0x3FAF]  }
0x28: {  	s2 =	sld [smem:$0x3FB0]  }
0x29: {  	s4 =	sld [smem:$0x3FB2]  }
0x2a: {  	p0 =	seq.s32 s5, $0x0;
	s5 =	sld [smem:$0x3FB3]  }
0x2b: {  	s6 =	sld [smem:$0x3FB4]  }
0x2c: {  	s7 =	sld [smem:$0x3FB5]  }
0x2d: {  	s3 =	simm.s32 $0x108;
	s8 =	sld [smem:$0x3FB6]  }
0x2e: {  	s3 =	simm.s32 @!p0 $0x1082;
	s9 =	sld [smem:$0x3FB7]  }
0x2f: {  	lr =	sadd.s32 s0, s3;
	s0 =	sld [smem:$0x3FAE]  }
0x30: {  	s3 =	sld [smem:$0x3FB1]  }
0x31: {  	[smem:$0x3FBA] =	sst s10  }
0x32: {  	s10 =	sld [smem:$0x3FB8];
	_ =	sdelay $0x3  }
0x33: {  	p0 =	seq.s32 s10, $0x1;
	s10 =	sld [smem:$0x3FBA];
	_ =	sdelay $0x3  }
0x34: {  	[smem:$0x3FBA] =	sst s10  }
0x35: {  	s10 =	sld [smem:$0x3FB9];
	_ =	sdelay $0x3  }
0x36: {  	p1 =	seq.s32 s10, $0x1;
	s10 =	sld [smem:$0x3FBA];
	_ =	sdelay $0x3  }
0x37: {  	[smem:$0x3FBA] =	sst s10  }
0x38: {  	s10 =	sld [smem:$0x3FBB]  }
0x39: {  	_ = 	snop;
	(pc) =	sbr.ind lr, $3  }
0x3a: {  	_ = 	snop  }
0x3b: {  	_ = 	snop  }
0x3c: {  	p2 =	seq.s32 s10, $0x1;
	s10 =	sld [smem:$0x3FBA]  }
0x3d: {  	_ =	shalt  }
0x3e: {  	_ =	shalt  }
0x3f: {  	_ =	shalt  }
0x40: {  	_ =	shalt  }
0x41: {  	_ =	shalt  }
0x42: {  	_ =	shalt  }
0x43: {  	_ =	shalt  }
0x44: {  	_ =	shalt  }
0x45: {  	_ =	shalt  }
0x46: {  	_ =	shalt  }
0x47: {  	_ =	shalt  }
0x48: {  	_ =	shalt  }
0x49: {  	_ =	shalt  }
0x4a: {  	_ =	shalt  }
0x4b: {  	_ =	shalt  }
0x4c: {  	_ =	shalt  }
0x4d: {  	_ =	shalt  }
0x4e: {  	_ =	shalt  }
0x4f: {  	_ =	shalt  }
0x50: {  	_ =	shalt  }
0x51: {  	_ =	shalt  }
0x52: {  	_ =	shalt  }
0x53: {  	_ =	shalt  }
0x54: {  	_ =	shalt  }
0x55: {  	_ =	shalt  }
0x56: {  	_ =	shalt  }
0x57: {  	_ =	shalt  }
0x58: {  	_ =	shalt  }
0x59: {  	_ =	shalt  }
0x5a: {  	_ =	shalt  }
0x5b: {  	_ =	shalt  }
0x5c: {  	_ =	shalt  }
0x5d: {  	_ =	shalt  }
0x5e: {  	_ =	shalt  }
0x5f: {  	_ =	shalt  }
0x60: {  	_ =	shalt  }
0x61: {  	_ =	shalt  }
0x62: {  	_ =	shalt  }
0x63: {  	_ =	shalt  }
0x64: {  	_ =	shalt  }
0x65: {  	_ =	shalt  }
0x66: {  	_ =	shalt  }
0x67: {  	_ =	shalt  }
0x68: {  	_ =	shalt  }
0x69: {  	_ =	shalt  }
0x6a: {  	_ =	shalt  }
0x6b: {  	_ =	shalt  }
0x6c: {  	_ =	shalt  }
0x6d: {  	_ =	shalt  }
0x6e: {  	_ =	shalt  }
0x6f: {  	_ =	shalt  }
0x70: {  	_ =	shalt  }
0x71: {  	_ =	shalt  }
0x72: {  	_ =	shalt  }
0x73: {  	_ =	shalt  }
0x74: {  	_ =	shalt  }
0x75: {  	_ =	shalt  }
0x76: {  	_ =	shalt  }
0x77: {  	_ =	shalt  }
0x78: {  	_ =	shalt  }
0x79: {  	_ =	shalt  }
0x7a: {  	_ =	shalt  }
0x7b: {  	_ =	shalt  }
0x7c: {  	_ =	shalt  }
0x7d: {  	_ =	shalt  }
0x7e: {  	_ =	shalt  }
0x7f: {  	_ =	shalt  }
0x80: {  	_ =	shalt  }
0x81: {  	_ =	shalt  }
0x82: {  	_ =	shalt  }
0x83: {  	_ =	shalt  }
0x84: {  	_ =	shalt  }
0x85: {  	_ =	shalt  }
0x86: {  	_ =	shalt  }
0x87: {  	_ =	shalt  }
.Lfunc_end0:
.L_simem_size_0:
called_computation_lowered:
.L_overlay_start_0:
0x88: {  	s2 =	sld [smem:$0x3FD9]  }
0x89: {  	s3 =	sld [smem:$0x3FFE];
	_ =	sdelay $0x1  }
0x8a: {  	s1 =	srdreg.scid  }
0x8b: {  	s0 =	sand.u32 $0x1, s1  }
0x8c: {  	s17 =	sshll.u32 s0, $0xA;
	s2 =	sadd.s32 s3, s2  }
0x8d: {  	s2 =	sadd.s32 s2, s17  }
0x8e: {  	[smem:$0x3FC6] =	sst s2  }
0x8f: {  	_ = 	snop  }
0x90: {  	s2 =	sld [smem:$0x3FC8]  }
0x91: {  	s18 =	sld [smem:$0x3FD0];
	(tm) =	ssettm $0x1  }
0x92: {  	s4 =	sld [smem:$0x3FFB];
	_ =	sdelay $0x3  }
0x93: {  	_ =	strace s4  }
0x94: {  	s4 =	sld [smem:$0x3FFC];
	_ =	sdelay $0x3  }
0x95: {  	_ =	strace s4  }
0x96: {  	s4 =	sld [smem:$0x3FFD];
	_ =	sdelay $0x3  }
0x97: {  	_ =	strace s4  }
0x98: {  	_ =	strace $0x8FFFFFFF  }
0x99: {  	s19 =	sld [smem:$0x3FDB];
	_ =	sdelay $0x1  }
0x9a: {  	s5 =	simm.s32 $_scs_section_size  }
0x9b: {  	s6 =	simm.s32 $_size__tile_overlayer_lowered;
	s7 =	simm.s32 $_tile_overlayer_lowered  }
0x9c: {  	s22 =	simm.s32 $0x1BFF;
	s21 =	sshll.u32 s7, $0x1;
	s4 =	sadd.s32 s5, s19  }
0x9d: {  	s8 =	simm.s32 $0x0;
	s20 =	sshll.u32 s6, $0x1;
	s6 =	sadd.s32 s21, s4  }
0x9e: {  	[timem:s8], [sflag:s22] =	dma.local [hbm:s6], s20  }
0x9f: {  	_ =	swait.ge [sflag:s22], s20  }
0xa0: {  	s5 =	ssub.s32 $0x0, s20;
	[sflag:s22] =	ssyncset.done $0x0  }
0xa1: {  	[sflag:s22] =	ssyncadd.s32 s5;
	_ =	sdelay $0x1  }
0xa2: {  	s23 =	simm.s32 $0x1B8B  }
0xa3: {  	_ =	swait.ge [sflag:s23], $0x1  }
0xa4: {  	[sflag:s23] =	ssyncset.done $0x0  }
0xa5: {  	s25 =	simm.s32 $0x1B8E;
	s24 =	sld [smem:$0x3FFE];
	[sflag:s23] =	ssyncadd.s32 $0xFFFFFFFF  }
0xa6: {  	s26 =	simm.s32 $execute0_lowered;
	[smem:$0x3FD2] =	sst s25  }
0xa7: {  	s6 =	sshll.u32 s26, $0x1;
	_ =	strace $0x80000046;
	[dreg:$0x1] =	wrdreg $0xFFFFFFFF  }
0xa8: {  	s28 =	simm.s32 $_size_execute0_lowered;
	s4 =	sadd.s32 s4, s6;
	[dreg:$0x0] =	wrdreg $0x0  }
0xa9: {  	s6 =	sshll.u32 s28, $0x1;
	[dreg:$0x2] =	wrdreg s4  }
0xaa: {  	[dreg:$0x3] =	wrdreg s6  }
0xab: {  	[dreg:$0x4] =	wrdreg $0xC0  }
0xac: {  	_ =	task [dreg:s8], $0x5FFFF  }
0xad: {  	[dreg:$0x1] =	wrdreg $0xFFFFFFFF  }
0xae: {  	[dreg:$0x0] =	wrdreg $0x60  }
0xaf: {  	[dreg:$0x2] =	wrdreg s24  }
0xb0: {  	[dreg:$0x3] =	wrdreg s2  }
0xb1: {  	[dreg:$0x4] =	wrdreg s18  }
0xb2: {  	[dreg:$0x5] =	wrdreg $0x9  }
0xb3: {  	_ =	task.clear_ibuf [dreg:s8], $0x6FFFF;
	_ =	strace $0x90000046  }
0xb4: {  	s29 =	simm.s32 $0x9;
	_ =	strace $0x80000048  }
0xb5: {  	_ =	swait.ge [sflag:s29], $0x1  }
0xb6: {  	[sflag:s29] =	ssyncadd.s32 $0xFFFFFFFF  }
0xb7: {  	_ =	strace $0x90000048  }
0xb8: {  	_ =	sfence  }
0xb9: {  	s30 =	sld [smem:$0x0];
	_ =	sdelay $0x2  }
0xba: {  	s31 =	sshll.u32 s1, $0xD;
	s1 =	sshrl.u32 s1, $0x2  }
0xbb: {  	s3 =	sand.u32 $0x4000, s31;
	s1 =	sadd.s32 s1, s30  }
0xbc: {  	s0 =	sor.u32 s3, s0;
	s1 =	sshll.u32 s1, $0x11  }
0xbd: {  	s0 =	sor.u32 s1, s0  }
0xbe: {  	s0 =	sadd.s32 $0x8F2B, s0  }
0xbf: {  	[sflag:s0] =	ssyncadd.remote.s32 $0x1  }
0xc0: {  	_ =	sfence.sel $0xFFFF  }
0xc1: {  	[dreg:$0x0] =	wrdreg $0xFFFFFFFF;
	(pc) =	sbr.abs _section_cstart, $3  }
0xc2: {  	[dreg:$0x1] =	wrdreg $0xFFFFFFFF  }
0xc3: {  	_ =	task.clear_ibuf [dreg:s8], $0x2FFFF;
	_ =	strace $0x9FFFFFFF  }
0xc4: {  	(tm) =	ssettm $0x7FFFFFFF  }
0xc5: {  	_ =	shalt  }
tec
execute0_lowered:
.L_overlay_start_1:
0x0: {  	(tag) =	ssettag $0x1  }
0x1: {  	s1 =	srdreg.scid  }
0x2: {  	s10 =	sand.u32 $0x1, s1;
	s1 =	stileid.u32  }
0x3: {  	s6 =	sshll.u32 s1, $0x1;
	s7 =	ssub.s32 $0x0, s10  }
0x4: {  	p0 =	sne.s32 s6, s7  }
.Ltmp0:
0x5: {  	s5 =	rddreg [dreg:$0x0];
	(pc) =	sbr.rel @p0 .LBB2_4-.Ltmp0, $4  }
0x6: {  	s2 =	rddreg [dreg:$0x1]  }
0x7: {  	s3 =	rddreg [dreg:$0x2];
	s4 =	simm.s32 $0x0  }
0x8: {  	[smem:$0x7FF] =	sst s4  }
0x9: {  	s0 =	rddreg [dreg:$0x3];
	_ =	strace $0x80000047  }
0xa: {  	s6 =	sadd.s32 $0x400, s5;
	s5 =	simm.s32 $0x1  }
0xb: {  	[tilespmem:s4], [sflag:$0x1] =	stream.linear.gather [hbm4b:s6+s4], $0x80, $0x38;
	[tilespmem:$0x900] =	vst v63  }
0xc: {  	_ =	swait.ge [sflag:s5], $0x80  }
0xd: {  	[sflag:s5] =	ssyncset.done $0x0  }
0xe: {  	[sflag:s5] =	ssyncadd.s32 $0xFFFFFF80  }
0xf: {  	v0 =	vld [tilespmem:$0x0];
	_ =	sdelay $0x4  }
0x10: {  	(v2sf) =	vpush v0, $0x0;
	_ =	sdelay $0xe  }
0x11: {  	s8 =	spop (v2sf)  }
0x12: {  	s7 =	sshra.s32 s8, $0x1F  }
0x13: {  	s7 =	sshrl.u32 s7, $0x19  }
0x14: {  	s7 =	sadd.s32 s7, s8  }
0x15: {  	s9 =	sand.u32 $0xFFFFFF80, s7  }
0x16: {  	p0 =	slt.s32 s8, $0x1;
	p1 =	sne.s32 s8, s9  }
0x17: {  	p0 =	por !p0, !p1  }
0x18: {  	s9 =	simm.s32 $0x1;
	p0 =	por !p0, !p0  }
0x19: {  	s7 =	sshrl.u32 s7, $0x7;
	s9 =	simm.s32 @!p0 $0x0  }
0x1a: {  	v0 =	vlaneseq.u32;
	s7 =	ssub.s32 s7, s9  }
0x1b: {  	v0 =	vmul.u32 $0x80, v0;
	s11 =	sand.u32 $0x7F, s8;
	s9 =	sshll.u32 s7, $0x7  }
0x1c: {  	s8 =	simm.s32 $0x7A1400;
	s12 =	sand.u32 $0x1FFFFF80, s9  }
0x1d: {  	v1 =	vor.u32 s11, v0;
	s7 =	simm.s32 $0x400;
	s9 =	simm.s32 $0x80;
	s12 =	sadd.s32 s2, s12  }
0x1e: {  	[tilespmem:s9], [sflag:$0x1] =	stream.strided.gather [hbm4b:s12+s7], $0x800, s8, s7, $0x38;
	[tilespmem:$0x900] =	vst v63  }
0x1f: {  	_ =	swait.ge [sflag:s5], $0x800  }
0x20: {  	[sflag:s5] =	ssyncset.done $0x0  }
0x21: {  	s10 =	ssub.s32 $0x2, s10;
	[sflag:s5] =	ssyncadd.s32 $0xFFFFF800  }
0x22: {  	s31 =	sshrl.u32 s10, $0x1;
	v1 =	vld.idx.msk [tilespmem:v1+s9+$0x0], $0xffff  }
0x23: {  	s10 =	ssub.s32 s10, s31  }
0x24: {  	s11 =	smax.u32 s10, $0x1  }
0x25: {  	p0 =	sne.s32 s11, $0x1  }
.Ltmp1:
0x26: {  	_ = 	snop;
	(pc) =	sbr.rel @!p0 .LBB2_3-.Ltmp1, $4  }
0x27: {  	s10 =	simm.s32 $0x880;
	[tilespmem:$0x880] =	vst v1  }
0x28: {  	[hbm4b:s3+s4] =	stream.linear.scatter [tilespmem:s10], [sflag:$0x1], $0x80, $0x38;
	[tilespmem:$0x900] =	vst v63  }
0x29: {  	_ =	swait.ge [sflag:s5], $0x80  }
0x2a: {  	s11 =	sadd.s32 $0xFFFFFFFF, s11;
	[sflag:s5] =	ssyncset.done $0x0  }
.LBB2_2:
0x2b: {  	p0 =	sne.s32 s11, $0x1;
	s11 =	sadd.s32 $0xFFFFFFFF, s11;
	[sflag:s5] =	ssyncadd.s32 $0xFFFFFF80  }
0x2c: {  	[tilespmem:s4], [sflag:$0x1] =	stream.linear.gather [hbm4b:s6+s4], $0x80, $0x38;
	[tilespmem:$0x900] =	vst v63  }
0x2d: {  	_ =	swait.ge [sflag:s5], $0x80  }
0x2e: {  	[sflag:s5] =	ssyncset.done $0x0  }
0x2f: {  	[sflag:s5] =	ssyncadd.s32 $0xFFFFFF80  }
0x30: {  	v1 =	vld [tilespmem:$0x0];
	_ =	sdelay $0x4  }
0x31: {  	(v2sf) =	vpush v1, $0x0;
	_ =	sdelay $0xe  }
0x32: {  	s12 =	spop (v2sf)  }
0x33: {  	s13 =	sshra.s32 s12, $0x1F;
	s14 =	sand.u32 $0x7F, s12  }
0x34: {  	s13 =	sshrl.u32 s13, $0x19  }
0x35: {  	s13 =	sadd.s32 s13, s12  }
0x36: {  	s15 =	sand.u32 $0xFFFFFF80, s13  }
0x37: {  	p1 =	slt.s32 s12, $0x1;
	p2 =	sne.s32 s12, s15  }
0x38: {  	p1 =	por !p1, !p2  }
0x39: {  	s12 =	sshrl.u32 s13, $0x7;
	s13 =	simm.s32 $0x1;
	p1 =	por !p1, !p1  }
0x3a: {  	s13 =	simm.s32 @!p1 $0x0  }
0x3b: {  	s12 =	ssub.s32 s12, s13  }
0x3c: {  	s12 =	sshll.u32 s12, $0x7  }
0x3d: {  	s12 =	sand.u32 $0x1FFFFF80, s12  }
0x3e: {  	v1 =	vor.u32 s14, v0;
	s12 =	sadd.s32 s2, s12  }
0x3f: {  	[tilespmem:s9], [sflag:$0x1] =	stream.strided.gather [hbm4b:s12+s7], $0x800, s8, s7, $0x38;
	[tilespmem:$0x900] =	vst v63  }
0x40: {  	_ =	swait.ge [sflag:s5], $0x800  }
0x41: {  	[sflag:s5] =	ssyncset.done $0x0  }
0x42: {  	[sflag:s5] =	ssyncadd.s32 $0xFFFFF800  }
0x43: {  	v1 =	vld.idx.msk [tilespmem:v1+s9+$0x0], $0xffff;
	_ =	sdelay $0x4  }
.Ltmp2:
0x44: {  	(pc) =	sbr.rel @p0 .LBB2_2-.Ltmp2, $4  }
0x45: {  	[tilespmem:$0x880] =	vst v1  }
0x46: {  	[hbm4b:s3+s4] =	stream.linear.scatter [tilespmem:s10], [sflag:$0x1], $0x80, $0x38;
	[tilespmem:$0x900] =	vst v63  }
0x47: {  	_ =	swait.ge [sflag:s5], $0x80  }
0x48: {  	[sflag:s5] =	ssyncset.done $0x0  }
.LBB2_3:
0x49: {  	[sflag:s5] =	ssyncadd.s32 $0xFFFFFF80  }
.LBB2_4:
0x4a: {  	_ =	sfence.sel $0x180000  }
0x4b: {  	[bflag:$0x0] =	sbarrier.arrive $0xFFFF  }
0x4c: {  	p0 =	sne.s32 s1, $0x0;
	_ =	strace $0x90000047  }
0x4d: {  	s0 =	sadd.s32 @!p0 $0x100000, s0;
	[bflag:$0x2] =	sbarrier.arrive $0xFFFF  }
0x4e: {  	[sflag:s0] =	ssyncadd.tile.s32 @!p0 $0x1;
	_ =	shalt  }
.Lfunc_end2:
_tile_overlayer_lowered:
.L_overlay_start_2:
0x4f: {  	(tag) =	ssettag $0x2  }
0x50: {  	s0 =	rddreg [dreg:$0x0];
	s2 =	stileid.u32  }
0x51: {  	s1 =	rddreg [dreg:$0x1];
	p0 =	sne.s32 s2, $0x0  }
0x52: {  	s3 =	rddreg [dreg:$0x2];
	[bflag:$0x3] =	sbarrier.arrive $0xFFFF;
	s2 =	simm.s32 @!p0 $0x1C01  }
0x53: {  	[timem:s3], [sflag:s2] =	dma.local @!p0 [hbm:s0], s1  }
0x54: {  	s0 =	simm.s32 @!p0 $0x1  }
0x55: {  	_ =	swait.ge @!p0 [sflag:s0], s1  }
0x56: {  	s1 =	ssub.s32 @!p0 $0x0, s1;
	[sflag:s0] =	ssyncset.done @!p0 $0x0  }
0x57: {  	[sflag:s0] =	ssyncadd.s32 @!p0 s1  }
0x58: {  	[bflag:$0x3] =	sbarrier.arrive $0xFFFF  }
0x59: {  	_ =	shalt  }

</sc_bundles>
